<compile_context>
chip_gen: v7x
topology: tpu7x:2x2x1
jax: 0.10.2.dev20260603
libtpu: 0.0.44.dev20260713+nightly
codegen_flags: <defaults>
</compile_context>

<pallas_src>
import jax
import jax.numpy as jnp
from jax import lax
from jax.experimental import pallas as pl
from jax.experimental.pallas import tpu as pltpu
from jax.experimental.pallas import tpu_sc as plsc

_N_MOL = 16
_N_REP = 4
_N_ATOM = 512
_L = 16
_HALF = _N_ATOM // 2
_T = _N_MOL * _N_REP * _N_ATOM
_MTOK = _N_REP * _N_ATOM


def _sc_body(p_hbm, e_hbm, h_hbm, fc_hbm, out_hbm, buf_v, fc_v, frac_v, out_v,
             sem_in, sem_fc):
    wid = lax.axis_index("s") * 2 + lax.axis_index("c")
    m = wid // 2
    half = wid % 2
    a0 = half * _HALF

    tok0 = m * _MTOK
    cp_p = pltpu.async_copy(
        p_hbm.at[pl.ds(tok0, _MTOK)], buf_v.at[pl.ds(0, _MTOK)], sem_in)
    cp_e = pltpu.async_copy(
        e_hbm.at[pl.ds(tok0, _MTOK)], buf_v.at[pl.ds(_MTOK, _MTOK)], sem_in)
    cp_h = pltpu.async_copy(
        h_hbm.at[pl.ds(tok0, _MTOK)], buf_v.at[pl.ds(2 * _MTOK, _MTOK)], sem_in)
    cp_fc = pltpu.async_copy(
        fc_hbm.at[pl.ds(tok0, _MTOK)], fc_v, sem_fc)
    cp_p.wait()
    cp_e.wait()
    cp_h.wait()
    cp_fc.wait()

    z = jnp.zeros((_L,), jnp.float32)

    def rep_body(r, carry):
        def grp_body(g, c):
            s_num, s_den = c
            t = r * _N_ATOM + g * _L
            p = buf_v[pl.ds(t, _L)]
            e = buf_v[pl.ds(_MTOK + t, _L)]
            h = buf_v[pl.ds(2 * _MTOK + t, _L)]
            fc = fc_v[pl.ds(t, _L)]
            invh = 1.0 / h
            u = p - e * invh
            return (s_num + (u - fc), s_den + invh)

        s_num, s_den = lax.fori_loop(0, _N_ATOM // _L, grp_body, (z, z),
                                     unroll=2)
        num = jnp.broadcast_to(jnp.sum(s_num), (_L,))
        den = jnp.broadcast_to(jnp.sum(s_den), (_L,))
        frac_v[pl.ds(r * _L, _L)] = num / den
        return carry

    lax.fori_loop(0, _N_REP, rep_body, 0)

    def out_body(g, carry):
        def rep2_body(r, acc):
            t = r * _N_ATOM + a0 + g * _L
            p = buf_v[pl.ds(t, _L)]
            e = buf_v[pl.ds(_MTOK + t, _L)]
            h = buf_v[pl.ds(2 * _MTOK + t, _L)]
            frac = frac_v[pl.ds(r * _L, _L)]
            return acc + (p - (e + frac) / h)

        acc = lax.fori_loop(0, _N_REP, rep2_body, z)
        out_v[pl.ds(g * _L, _L)] = acc * (1.0 / _N_REP)
        return carry

    lax.fori_loop(0, _HALF // _L, out_body, 0)
    pltpu.sync_copy(out_v, out_hbm.at[pl.ds(m * _N_ATOM + a0, _HALF)])


def kernel(inputs, formal_charge, n_atoms, n_representations, n_molecules):
    mesh = plsc.VectorSubcoreMesh(core_axis_name="c", subcore_axis_name="s")
    run = pl.kernel(
        _sc_body,
        out_type=jax.ShapeDtypeStruct((_N_MOL * _N_ATOM,), jnp.float32),
        mesh=mesh,
        compiler_params=pltpu.CompilerParams(needs_layout_passes=False),
        scratch_types=[
            pltpu.VMEM((3 * _MTOK,), jnp.float32),
            pltpu.VMEM((_MTOK,), jnp.float32),
            pltpu.VMEM((_N_REP * _L,), jnp.float32),
            pltpu.VMEM((_HALF,), jnp.float32),
            pltpu.SemaphoreType.DMA,
            pltpu.SemaphoreType.DMA,
        ],
    )
    out = run(inputs[:, 0], inputs[:, 1], inputs[:, 2], formal_charge)
    return out.reshape(-1, 1)

# --- scband reference (transcript-rebuilt; emitter-appended) ---
"""Pipeline reference for scband-regularized-compute-partial-charges-23450521436432 (READ-ONLY COPY).

The authoritative reference and input builder live on the scoring server;
editing this copy changes nothing except your own understanding.
"""

import jax, jax.numpy as jnp
import numpy as np

N_MOL = 16
N_REP = 4
N_ATOM = 512


def setup_inputs(seed: int = 0) -> dict:
    key = jax.random.key(seed)
    k1, k2 = jax.random.split(key)
    T = N_MOL * N_REP * N_ATOM
    inputs = jax.random.uniform(k1, (T, 3), dtype=jnp.float32)
    # keep hardness (column 2) safely away from zero since we divide by it
    inputs = inputs.at[:, 2].add(0.5)
    # formal charges are small integers in practice
    formal_charge = jnp.round(jax.random.uniform(k2, (T,), dtype=jnp.float32) * 2.0 - 1.0)
    return {
        "inputs": inputs,
        "formal_charge": formal_charge,
        "n_atoms": N_ATOM,
        "n_representations": N_REP,
        "n_molecules": N_MOL,
    }


def reference(inputs, formal_charge, n_atoms, n_representations, n_molecules):
    # Each (molecule, representation) pair is one contiguous segment of n_atoms tokens.
    S = N_MOL * N_REP
    seg_ids = jnp.repeat(jnp.arange(S), N_ATOM)

    charge_priors = inputs[:, 0]
    electronegativity = inputs[:, 1]
    hardness = inputs[:, 2]

    inverse_hardness = 1.0 / hardness
    e_over_s = electronegativity * inverse_hardness

    total_prior_charge = jax.ops.segment_sum(charge_priors, seg_ids, num_segments=S)
    total_charge = jax.ops.segment_sum(formal_charge, seg_ids, num_segments=S)
    sum_e_over_s = jax.ops.segment_sum(e_over_s, seg_ids, num_segments=S)
    sum_inv_hardness = jax.ops.segment_sum(inverse_hardness, seg_ids, num_segments=S)

    numerator = total_prior_charge - total_charge - sum_e_over_s
    fraction = inverse_hardness * (numerator / sum_inv_hardness)[seg_ids]

    charges = charge_priors - e_over_s - fraction  # [T]

    # mean over resonance representations per molecule, then vstack -> [n_molecules*n_atoms, 1]
    charges = charges.reshape(N_MOL, N_REP, N_ATOM).mean(axis=1)
    charges = charges + 0.0 * (
        (n_atoms - N_ATOM) + (n_representations - N_REP) + (n_molecules - N_MOL)
    )
    return charges.reshape(-1, 1)

if __name__ == "__main__":
    import jax
    _d = setup_inputs()
    print(jax.jit(kernel)(*tuple(_d.values())))

</pallas_src>

<mosaic_0001>
#map = affine_map<(d0, d1) -> (0)>
module attributes {stable_mosaic.version = 14 : i64} {
  func.func @_sc_body(%arg0: i32, %arg1: i32, %arg2: memref<32768xf32, #tpu.memory_space<hbm>>, %arg3: memref<32768xf32, #tpu.memory_space<hbm>>, %arg4: memref<32768xf32, #tpu.memory_space<hbm>>, %arg5: memref<32768xf32, #tpu.memory_space<hbm>>, %arg6: memref<8192xf32, #tpu.memory_space<hbm>>, %arg7: memref<6144xf32, #tpu.memory_space<vmem>>, %arg8: memref<2048xf32, #tpu.memory_space<vmem>>, %arg9: memref<64xf32, #tpu.memory_space<vmem>>, %arg10: memref<256xf32, #tpu.memory_space<vmem>>, %arg11: memref<!tpu.dma_semaphore, #tpu.memory_space<semaphore_mem>>, %arg12: memref<!tpu.dma_semaphore, #tpu.memory_space<semaphore_mem>>) attributes {dimension_semantics = [#tpu.dimension_semantics<core_parallel>, #tpu.dimension_semantics<subcore_parallel>], iteration_bounds = array<i64: 2, 16>, scalar_prefetch = 0 : i64, scratch_operands = 6 : i64, tpu.core_type = #tpu.core_type<sc_vector_subcore>, window_params = [{transform_indices = #map}, {transform_indices = #map}, {transform_indices = #map}, {transform_indices = #map}, {transform_indices = #map}]} {
    %mul3A = arith.constant 2 : i32
    %mul3A_0 = arith.muli %arg1, %mul3A : i32
    %add3A = arith.addi %mul3A_0, %arg0 : i32
    %jit3A = arith.constant 2 : i32
    %div3A = arith.divsi %add3A, %jit3A : i32
    %sign3A = arith.constant 0 : i32
    %sign3A_1 = arith.cmpi sgt, %add3A, %sign3A : i32
    %sign3A_2 = arith.extui %sign3A_1 : i1 to i32
    %sign3A_3 = arith.constant 0 : i32
    %sign3A_4 = arith.cmpi slt, %add3A, %sign3A_3 : i32
    %sign3A_5 = arith.extui %sign3A_4 : i1 to i32
    %sign3A_6 = arith.subi %sign3A_2, %sign3A_5 : i32
    %sign3A_7 = arith.constant 0 : i32
    %sign3A_8 = arith.cmpi sgt, %jit3A, %sign3A_7 : i32
    %sign3A_9 = arith.extui %sign3A_8 : i1 to i32
    %sign3A_10 = arith.constant 0 : i32
    %sign3A_11 = arith.cmpi slt, %jit3A, %sign3A_10 : i32
    %sign3A_12 = arith.extui %sign3A_11 : i1 to i32
    %sign3A_13 = arith.subi %sign3A_9, %sign3A_12 : i32
    %ne3A = arith.cmpi ne, %sign3A_6, %sign3A_13 : i32
    %rem3A = arith.remsi %add3A, %jit3A : i32
    %ne3A_14 = arith.constant 0 : i32
    %ne3A_15 = arith.cmpi ne, %rem3A, %ne3A_14 : i32
    %and3A = arith.andi %ne3A, %ne3A_15 : i1
    %sub3A = arith.constant 1 : i32
    %sub3A_16 = arith.subi %div3A, %sub3A : i32
    %select_n3A = arith.select %and3A, %sub3A_16, %div3A : i32
    %jit3A_17 = arith.constant 2 : i32
    %eq3A = arith.constant 0 : i32
    %eq3A_18 = arith.cmpi eq, %jit3A_17, %eq3A : i32
    %jit3A_19 = arith.constant 1 : i32
    %select_n3A_20 = arith.select %eq3A_18, %jit3A_19, %jit3A_17 : i32
    %rem3A_21 = arith.remsi %add3A, %select_n3A_20 : i32
    %ne3A_22 = arith.constant 0 : i32
    %ne3A_23 = arith.cmpi ne, %rem3A_21, %ne3A_22 : i32
    %lt3A = arith.constant 0 : i32
    %lt3A_24 = arith.cmpi slt, %rem3A_21, %lt3A : i32
    %lt3A_25 = arith.constant 0 : i32
    %lt3A_26 = arith.cmpi slt, %select_n3A_20, %lt3A_25 : i32
    %ne3A_27 = arith.xori %lt3A_24, %lt3A_26 : i1
    %and3A_28 = arith.andi %ne3A_27, %ne3A_23 : i1
    %add3A_29 = arith.addi %rem3A_21, %select_n3A_20 : i32
    %select_n3A_30 = arith.select %and3A_28, %add3A_29, %rem3A_21 : i32
    %mul3A_31 = arith.constant 256 : i32
    %mul3A_32 = arith.muli %select_n3A_30, %mul3A_31 : i32
    %mul3A_33 = arith.constant 2048 : i32
    %mul3A_34 = arith.muli %select_n3A, %mul3A_33 : i32
    %dma_start3A = arith.constant 0 : i32
    %dma_start3A_35 = tpu.memref_slice %arg7[%dma_start3A] : memref<6144xf32, #tpu.memory_space<vmem>> -> memref<2048xf32, #tpu.memory_space<vmem>>
    %dma_start3A_36 = tpu.memref_slice %arg2[%mul3A_34] : memref<32768xf32, #tpu.memory_space<hbm>> -> memref<2048xf32, #tpu.memory_space<hbm>>
    %dma_start3A_37 = arith.constant 0 : i32
    %dma_start3A_38 = tpu.memref_slice %arg7[%dma_start3A_37] : memref<6144xf32, #tpu.memory_space<vmem>> -> memref<2048xf32, #tpu.memory_space<vmem>>
    %dma_start3A_39 = tpu.memref_slice %arg2[%mul3A_34] : memref<32768xf32, #tpu.memory_space<hbm>> -> memref<2048xf32, #tpu.memory_space<hbm>>
    tpu.enqueue_dma source(%dma_start3A_39 : memref<2048xf32, #tpu.memory_space<hbm>>) target(%dma_start3A_38 : memref<2048xf32, #tpu.memory_space<vmem>>) target_semaphore(%arg11 : memref<!tpu.dma_semaphore, #tpu.memory_space<semaphore_mem>>)
    %dma_start3A_40 = arith.constant 2048 : i32
    %dma_start3A_41 = tpu.memref_slice %arg7[%dma_start3A_40] : memref<6144xf32, #tpu.memory_space<vmem>> -> memref<2048xf32, #tpu.memory_space<vmem>>
    %dma_start3A_42 = tpu.memref_slice %arg3[%mul3A_34] : memref<32768xf32, #tpu.memory_space<hbm>> -> memref<2048xf32, #tpu.memory_space<hbm>>
    %dma_start3A_43 = arith.constant 2048 : i32
    %dma_start3A_44 = tpu.memref_slice %arg7[%dma_start3A_43] : memref<6144xf32, #tpu.memory_space<vmem>> -> memref<2048xf32, #tpu.memory_space<vmem>>
    %dma_start3A_45 = tpu.memref_slice %arg3[%mul3A_34] : memref<32768xf32, #tpu.memory_space<hbm>> -> memref<2048xf32, #tpu.memory_space<hbm>>
    tpu.enqueue_dma source(%dma_start3A_45 : memref<2048xf32, #tpu.memory_space<hbm>>) target(%dma_start3A_44 : memref<2048xf32, #tpu.memory_space<vmem>>) target_semaphore(%arg11 : memref<!tpu.dma_semaphore, #tpu.memory_space<semaphore_mem>>)
    %dma_start3A_46 = arith.constant 4096 : i32
    %dma_start3A_47 = tpu.memref_slice %arg7[%dma_start3A_46] : memref<6144xf32, #tpu.memory_space<vmem>> -> memref<2048xf32, #tpu.memory_space<vmem>>
    %dma_start3A_48 = tpu.memref_slice %arg4[%mul3A_34] : memref<32768xf32, #tpu.memory_space<hbm>> -> memref<2048xf32, #tpu.memory_space<hbm>>
    %dma_start3A_49 = arith.constant 4096 : i32
    %dma_start3A_50 = tpu.memref_slice %arg7[%dma_start3A_49] : memref<6144xf32, #tpu.memory_space<vmem>> -> memref<2048xf32, #tpu.memory_space<vmem>>
    %dma_start3A_51 = tpu.memref_slice %arg4[%mul3A_34] : memref<32768xf32, #tpu.memory_space<hbm>> -> memref<2048xf32, #tpu.memory_space<hbm>>
    tpu.enqueue_dma source(%dma_start3A_51 : memref<2048xf32, #tpu.memory_space<hbm>>) target(%dma_start3A_50 : memref<2048xf32, #tpu.memory_space<vmem>>) target_semaphore(%arg11 : memref<!tpu.dma_semaphore, #tpu.memory_space<semaphore_mem>>)
    %dma_start3A_52 = tpu.memref_slice %arg5[%mul3A_34] : memref<32768xf32, #tpu.memory_space<hbm>> -> memref<2048xf32, #tpu.memory_space<hbm>>
    %dma_start3A_53 = tpu.memref_slice %arg5[%mul3A_34] : memref<32768xf32, #tpu.memory_space<hbm>> -> memref<2048xf32, #tpu.memory_space<hbm>>
    tpu.enqueue_dma source(%dma_start3A_53 : memref<2048xf32, #tpu.memory_space<hbm>>) target(%arg8 : memref<2048xf32, #tpu.memory_space<vmem>>) target_semaphore(%arg12 : memref<!tpu.dma_semaphore, #tpu.memory_space<semaphore_mem>>)
    %dma_wait3A = arith.constant 0 : i32
    %dma_wait3A_54 = tpu.memref_slice %arg7[%dma_wait3A] : memref<6144xf32, #tpu.memory_space<vmem>> -> memref<2048xf32, #tpu.memory_space<vmem>>
    %dma_wait3A_55 = tpu.memref_slice %arg2[%mul3A_34] : memref<32768xf32, #tpu.memory_space<hbm>> -> memref<2048xf32, #tpu.memory_space<hbm>>
    %dma_wait3A_56 = arith.constant 0 : i32
    %dma_wait3A_57 = tpu.memref_slice %arg7[%dma_wait3A_56] : memref<6144xf32, #tpu.memory_space<vmem>> -> memref<2048xf32, #tpu.memory_space<vmem>>
    %dma_wait3A_58 = tpu.memref_slice %arg2[%mul3A_34] : memref<32768xf32, #tpu.memory_space<hbm>> -> memref<2048xf32, #tpu.memory_space<hbm>>
    tpu.wait_dma2 semaphore(%arg11 : memref<!tpu.dma_semaphore, #tpu.memory_space<semaphore_mem>>) src(%dma_wait3A_58 : memref<2048xf32, #tpu.memory_space<hbm>>) dst(%dma_wait3A_57 : memref<2048xf32, #tpu.memory_space<vmem>>)
    %dma_wait3A_59 = arith.constant 2048 : i32
    %dma_wait3A_60 = tpu.memref_slice %arg7[%dma_wait3A_59] : memref<6144xf32, #tpu.memory_space<vmem>> -> memref<2048xf32, #tpu.memory_space<vmem>>
    %dma_wait3A_61 = tpu.memref_slice %arg3[%mul3A_34] : memref<32768xf32, #tpu.memory_space<hbm>> -> memref<2048xf32, #tpu.memory_space<hbm>>
    %dma_wait3A_62 = arith.constant 2048 : i32
    %dma_wait3A_63 = tpu.memref_slice %arg7[%dma_wait3A_62] : memref<6144xf32, #tpu.memory_space<vmem>> -> memref<2048xf32, #tpu.memory_space<vmem>>
    %dma_wait3A_64 = tpu.memref_slice %arg3[%mul3A_34] : memref<32768xf32, #tpu.memory_space<hbm>> -> memref<2048xf32, #tpu.memory_space<hbm>>
    tpu.wait_dma2 semaphore(%arg11 : memref<!tpu.dma_semaphore, #tpu.memory_space<semaphore_mem>>) src(%dma_wait3A_64 : memref<2048xf32, #tpu.memory_space<hbm>>) dst(%dma_wait3A_63 : memref<2048xf32, #tpu.memory_space<vmem>>)
    %dma_wait3A_65 = arith.constant 4096 : i32
    %dma_wait3A_66 = tpu.memref_slice %arg7[%dma_wait3A_65] : memref<6144xf32, #tpu.memory_space<vmem>> -> memref<2048xf32, #tpu.memory_space<vmem>>
    %dma_wait3A_67 = tpu.memref_slice %arg4[%mul3A_34] : memref<32768xf32, #tpu.memory_space<hbm>> -> memref<2048xf32, #tpu.memory_space<hbm>>
    %dma_wait3A_68 = arith.constant 4096 : i32
    %dma_wait3A_69 = tpu.memref_slice %arg7[%dma_wait3A_68] : memref<6144xf32, #tpu.memory_space<vmem>> -> memref<2048xf32, #tpu.memory_space<vmem>>
    %dma_wait3A_70 = tpu.memref_slice %arg4[%mul3A_34] : memref<32768xf32, #tpu.memory_space<hbm>> -> memref<2048xf32, #tpu.memory_space<hbm>>
    tpu.wait_dma2 semaphore(%arg11 : memref<!tpu.dma_semaphore, #tpu.memory_space<semaphore_mem>>) src(%dma_wait3A_70 : memref<2048xf32, #tpu.memory_space<hbm>>) dst(%dma_wait3A_69 : memref<2048xf32, #tpu.memory_space<vmem>>)
    %dma_wait3A_71 = tpu.memref_slice %arg5[%mul3A_34] : memref<32768xf32, #tpu.memory_space<hbm>> -> memref<2048xf32, #tpu.memory_space<hbm>>
    %dma_wait3A_72 = tpu.memref_slice %arg5[%mul3A_34] : memref<32768xf32, #tpu.memory_space<hbm>> -> memref<2048xf32, #tpu.memory_space<hbm>>
    tpu.wait_dma2 semaphore(%arg12 : memref<!tpu.dma_semaphore, #tpu.memory_space<semaphore_mem>>) src(%dma_wait3A_72 : memref<2048xf32, #tpu.memory_space<hbm>>) dst(%arg8 : memref<2048xf32, #tpu.memory_space<vmem>>)
    %broadcast_in_dim3A = arith.constant 0.000000e+00 : f32
    %broadcast_in_dim3A_73 = vector.broadcast %broadcast_in_dim3A : f32 to vector<16xf32>
    %scan3A = arith.constant 0 : i32
    %scan3A_74 = arith.constant 0 : i32
    %scan3A_75 = arith.constant 4 : i32
    %scan3A_76 = arith.addi %scan3A_74, %scan3A_75 : i32
    %scan3A_77 = arith.constant 1 : i32
    scf.for %scan3A_88 = %scan3A_74 to %scan3A_76 step %scan3A_77  : i32 {
      %scan3A_89 = arith.constant 0 : i32
      %scan3A_90 = arith.constant 32 : i32
      %scan3A_91 = arith.addi %scan3A_89, %scan3A_90 : i32
      %scan3A_92 = arith.constant 2 : i32
      %scan3A_93:2 = scf.for %scan3A_108 = %scan3A_89 to %scan3A_91 step %scan3A_92 iter_args(%scan3A_109 = %broadcast_in_dim3A_73, %scan3A_110 = %broadcast_in_dim3A_73) -> (vector<16xf32>, vector<16xf32>)  : i32 {
        %mul3A_111 = arith.constant 512 : i32
        %mul3A_112 = arith.muli %scan3A_88, %mul3A_111 : i32
        %mul3A_113 = arith.constant 16 : i32
        %mul3A_114 = arith.muli %scan3A_108, %mul3A_113 : i32
        %add3A_115 = arith.addi %mul3A_112, %mul3A_114 : i32
        %get3A = arith.index_cast %add3A_115 : i32 to index
        %get3A_116 = tpu.vector_load %arg7[%get3A] {strides = array<i32>} : memref<6144xf32, #tpu.memory_space<vmem>>, vector<16xf32>,
        %add3A_117 = arith.constant 2048 : i32
        %add3A_118 = arith.addi %add3A_117, %add3A_115 : i32
        %get3A_119 = arith.index_cast %add3A_118 : i32 to index
        %get3A_120 = tpu.vector_load %arg7[%get3A_119] {strides = array<i32>} : memref<6144xf32, #tpu.memory_space<vmem>>, vector<16xf32>,
        %add3A_121 = arith.constant 4096 : i32
        %add3A_122 = arith.addi %add3A_121, %add3A_115 : i32
        %get3A_123 = arith.index_cast %add3A_122 : i32 to index
        %get3A_124 = tpu.vector_load %arg7[%get3A_123] {strides = array<i32>} : memref<6144xf32, #tpu.memory_space<vmem>>, vector<16xf32>,
        %get3A_125 = arith.index_cast %add3A_115 : i32 to index
        %get3A_126 = tpu.vector_load %arg8[%get3A_125] {strides = array<i32>} : memref<2048xf32, #tpu.memory_space<vmem>>, vector<16xf32>,
        %div3A_127 = arith.constant 1.000000e+00 : f32
        %div3A_128 = vector.broadcast %div3A_127 : f32 to vector<16xf32>
        %div3A_129 = arith.divf %div3A_128, %get3A_124 : vector<16xf32>
        %mul3A_130 = arith.mulf %get3A_120, %div3A_129 : vector<16xf32>
        %sub3A_131 = arith.subf %get3A_116, %mul3A_130 : vector<16xf32>
        %sub3A_132 = arith.subf %sub3A_131, %get3A_126 : vector<16xf32>
        %add3A_133 = arith.addf %scan3A_109, %sub3A_132 : vector<16xf32>
        %add3A_134 = arith.addf %scan3A_110, %div3A_129 : vector<16xf32>
        %scan3A_135 = arith.constant 1 : i32
        %scan3A_136 = arith.addi %scan3A_108, %scan3A_135 : i32
        %mul3A_137 = arith.constant 512 : i32
        %mul3A_138 = arith.muli %scan3A_88, %mul3A_137 : i32
        %mul3A_139 = arith.constant 16 : i32
        %mul3A_140 = arith.muli %scan3A_136, %mul3A_139 : i32
        %add3A_141 = arith.addi %mul3A_138, %mul3A_140 : i32
        %get3A_142 = arith.index_cast %add3A_141 : i32 to index
        %get3A_143 = tpu.vector_load %arg7[%get3A_142] {strides = array<i32>} : memref<6144xf32, #tpu.memory_space<vmem>>, vector<16xf32>,
        %add3A_144 = arith.constant 2048 : i32
        %add3A_145 = arith.addi %add3A_144, %add3A_141 : i32
        %get3A_146 = arith.index_cast %add3A_145 : i32 to index
        %get3A_147 = tpu.vector_load %arg7[%get3A_146] {strides = array<i32>} : memref<6144xf32, #tpu.memory_space<vmem>>, vector<16xf32>,
        %add3A_148 = arith.constant 4096 : i32
        %add3A_149 = arith.addi %add3A_148, %add3A_141 : i32
        %get3A_150 = arith.index_cast %add3A_149 : i32 to index
        %get3A_151 = tpu.vector_load %arg7[%get3A_150] {strides = array<i32>} : memref<6144xf32, #tpu.memory_space<vmem>>, vector<16xf32>,
        %get3A_152 = arith.index_cast %add3A_141 : i32 to index
        %get3A_153 = tpu.vector_load %arg8[%get3A_152] {strides = array<i32>} : memref<2048xf32, #tpu.memory_space<vmem>>, vector<16xf32>,
        %div3A_154 = arith.constant 1.000000e+00 : f32
        %div3A_155 = vector.broadcast %div3A_154 : f32 to vector<16xf32>
        %div3A_156 = arith.divf %div3A_155, %get3A_151 : vector<16xf32>
        %mul3A_157 = arith.mulf %get3A_147, %div3A_156 : vector<16xf32>
        %sub3A_158 = arith.subf %get3A_143, %mul3A_157 : vector<16xf32>
        %sub3A_159 = arith.subf %sub3A_158, %get3A_153 : vector<16xf32>
        %add3A_160 = arith.addf %add3A_133, %sub3A_159 : vector<16xf32>
        %add3A_161 = arith.addf %add3A_134, %div3A_156 : vector<16xf32>
        scf.yield %add3A_160, %add3A_161 : vector<16xf32>, vector<16xf32>
      }
      %scan3A_94 = arith.constant 32 : i32
      %reduce_sum3A = arith.constant true
      %reduce_sum3A_95 = vector.broadcast %reduce_sum3A : i1 to vector<16xi1>
      %reduce_sum3A_96 = tpu.scan <sum>, %scan3A_93#0 masked %reduce_sum3A_95 : vector<16xf32>, vector<16xi1> -> vector<16xf32>
      %reduce_sum3A_97 = vector.extract %reduce_sum3A_96[15] : f32 from vector<16xf32>
      %broadcast_in_dim3A_98 = vector.broadcast %reduce_sum3A_97 : f32 to vector<16xf32>
      %reduce_sum3A_99 = arith.constant true
      %reduce_sum3A_100 = vector.broadcast %reduce_sum3A_99 : i1 to vector<16xi1>
      %reduce_sum3A_101 = tpu.scan <sum>, %scan3A_93#1 masked %reduce_sum3A_100 : vector<16xf32>, vector<16xi1> -> vector<16xf32>
      %reduce_sum3A_102 = vector.extract %reduce_sum3A_101[15] : f32 from vector<16xf32>
      %broadcast_in_dim3A_103 = vector.broadcast %reduce_sum3A_102 : f32 to vector<16xf32>
      %div3A_104 = arith.divf %broadcast_in_dim3A_98, %broadcast_in_dim3A_103 : vector<16xf32>
      %mul3A_105 = arith.constant 16 : i32
      %mul3A_106 = arith.muli %scan3A_88, %mul3A_105 : i32
      %swap3A = arith.index_cast %mul3A_106 : i32 to index
      %swap3A_107 = tpu.vector_load %arg9[%swap3A] {strides = array<i32>} : memref<64xf32, #tpu.memory_space<vmem>>, vector<16xf32>,
      tpu.vector_store %arg9[%swap3A], %div3A_104 {strides = array<i32>} : memref<64xf32, #tpu.memory_space<vmem>>, vector<16xf32>,
    }
    %scan3A_78 = arith.constant 4 : i32
    %scan3A_79 = arith.constant 0 : i32
    %scan3A_80 = arith.constant 0 : i32
    %scan3A_81 = arith.constant 16 : i32
    %scan3A_82 = arith.addi %scan3A_80, %scan3A_81 : i32
    %scan3A_83 = arith.constant 1 : i32
    scf.for %scan3A_88 = %scan3A_80 to %scan3A_82 step %scan3A_83  : i32 {
      %scan3A_89 = arith.constant 0 : i32
      %scan3A_90 = arith.constant 4 : i32
      %scan3A_91 = arith.addi %scan3A_89, %scan3A_90 : i32
      %scan3A_92 = arith.constant 1 : i32
      %scan3A_93 = scf.for %scan3A_101 = %scan3A_89 to %scan3A_91 step %scan3A_92 iter_args(%scan3A_102 = %broadcast_in_dim3A_73) -> (vector<16xf32>)  : i32 {
        %mul3A_103 = arith.constant 512 : i32
        %mul3A_104 = arith.muli %scan3A_101, %mul3A_103 : i32
        %add3A_105 = arith.addi %mul3A_104, %mul3A_32 : i32
        %mul3A_106 = arith.constant 16 : i32
        %mul3A_107 = arith.muli %scan3A_88, %mul3A_106 : i32
        %add3A_108 = arith.addi %add3A_105, %mul3A_107 : i32
        %get3A = arith.index_cast %add3A_108 : i32 to index
        %get3A_109 = tpu.vector_load %arg7[%get3A] {strides = array<i32>} : memref<6144xf32, #tpu.memory_space<vmem>>, vector<16xf32>,
        %add3A_110 = arith.constant 2048 : i32
        %add3A_111 = arith.addi %add3A_110, %add3A_108 : i32
        %get3A_112 = arith.index_cast %add3A_111 : i32 to index
        %get3A_113 = tpu.vector_load %arg7[%get3A_112] {strides = array<i32>} : memref<6144xf32, #tpu.memory_space<vmem>>, vector<16xf32>,
        %add3A_114 = arith.constant 4096 : i32
        %add3A_115 = arith.addi %add3A_114, %add3A_108 : i32
        %get3A_116 = arith.index_cast %add3A_115 : i32 to index
        %get3A_117 = tpu.vector_load %arg7[%get3A_116] {strides = array<i32>} : memref<6144xf32, #tpu.memory_space<vmem>>, vector<16xf32>,
        %mul3A_118 = arith.constant 16 : i32
        %mul3A_119 = arith.muli %scan3A_101, %mul3A_118 : i32
        %get3A_120 = arith.index_cast %mul3A_119 : i32 to index
        %get3A_121 = tpu.vector_load %arg9[%get3A_120] {strides = array<i32>} : memref<64xf32, #tpu.memory_space<vmem>>, vector<16xf32>,
        %add3A_122 = arith.addf %get3A_113, %get3A_121 : vector<16xf32>
        %div3A_123 = arith.divf %add3A_122, %get3A_117 : vector<16xf32>
        %sub3A_124 = arith.subf %get3A_109, %div3A_123 : vector<16xf32>
        %add3A_125 = arith.addf %scan3A_102, %sub3A_124 : vector<16xf32>
        scf.yield %add3A_125 : vector<16xf32>
      }
      %scan3A_94 = arith.constant 4 : i32
      %mul3A_95 = arith.constant 2.500000e-01 : f32
      %mul3A_96 = vector.broadcast %mul3A_95 : f32 to vector<16xf32>
      %mul3A_97 = arith.mulf %scan3A_93, %mul3A_96 : vector<16xf32>
      %mul3A_98 = arith.constant 16 : i32
      %mul3A_99 = arith.muli %scan3A_88, %mul3A_98 : i32
      %swap3A = arith.index_cast %mul3A_99 : i32 to index
      %swap3A_100 = tpu.vector_load %arg10[%swap3A] {strides = array<i32>} : memref<256xf32, #tpu.memory_space<vmem>>, vector<16xf32>,
      tpu.vector_store %arg10[%swap3A], %mul3A_97 {strides = array<i32>} : memref<256xf32, #tpu.memory_space<vmem>>, vector<16xf32>,
    }
    %scan3A_84 = arith.constant 16 : i32
    %mul3A_85 = arith.constant 512 : i32
    %mul3A_86 = arith.muli %select_n3A, %mul3A_85 : i32
    %add3A_87 = arith.addi %mul3A_86, %mul3A_32 : i32
    "tpu.region"() ({
      %run_scoped3A = tpu.sem_alloc : memref<!tpu.dma_semaphore, #tpu.memory_space<semaphore_mem>>
      %dma_start3A_88 = tpu.memref_slice %arg6[%add3A_87] : memref<8192xf32, #tpu.memory_space<hbm>> -> memref<256xf32, #tpu.memory_space<hbm>>
      %dma_start3A_89 = tpu.memref_slice %arg6[%add3A_87] : memref<8192xf32, #tpu.memory_space<hbm>> -> memref<256xf32, #tpu.memory_space<hbm>>
      tpu.enqueue_dma source(%arg10 : memref<256xf32, #tpu.memory_space<vmem>>) target(%dma_start3A_89 : memref<256xf32, #tpu.memory_space<hbm>>) target_semaphore(%run_scoped3A : memref<!tpu.dma_semaphore, #tpu.memory_space<semaphore_mem>>)
      %dma_wait3A_90 = tpu.memref_slice %arg6[%add3A_87] : memref<8192xf32, #tpu.memory_space<hbm>> -> memref<256xf32, #tpu.memory_space<hbm>>
      %dma_wait3A_91 = tpu.memref_slice %arg6[%add3A_87] : memref<8192xf32, #tpu.memory_space<hbm>> -> memref<256xf32, #tpu.memory_space<hbm>>
      tpu.wait_dma2 semaphore(%run_scoped3A : memref<!tpu.dma_semaphore, #tpu.memory_space<semaphore_mem>>) src(%arg10 : memref<256xf32, #tpu.memory_space<vmem>>) dst(%dma_wait3A_91 : memref<256xf32, #tpu.memory_space<hbm>>)
      tpu.yield
    }) : () -> ()
    return
  }
}

</mosaic_0001>

<sc_bundles>
// kernel: kernel.3.cloned.1.call-start
scs
__scs_entry_jumppad:
0x0: {  	(pc) =	sbr.rel $0x88, $3  }
0x1: {  	(tag) =	ssettag $0x0;
	lr =	simm.s32 $0x1  }
0x2: {  	[smem:$0x3F9F] =	sst lr;
	_ =	strace $0xD0000000  }
0x3: {  	_ = 	snop  }
0x4: {  	_ = 	snop  }
0x5: {  	_ = 	snop  }
0x6: {  	_ = 	snop  }
0x7: {  	_ = 	snop  }
__scs_overlays_trampoline_lowered:
0x8: {  	[smem:$0x3FAE] =	sst s0  }
0x9: {  	[smem:$0x3FAF] =	sst s1  }
0xa: {  	[smem:$0x3FB0] =	sst s2  }
0xb: {  	[smem:$0x3FB1] =	sst s3  }
0xc: {  	[smem:$0x3FB2] =	sst s4  }
0xd: {  	[smem:$0x3FB3] =	sst s5  }
0xe: {  	[smem:$0x3FB4] =	sst s6  }
0xf: {  	[smem:$0x3FB5] =	sst s7  }
0x10: {  	[smem:$0x3FB6] =	sst s8  }
0x11: {  	[smem:$0x3FB7] =	sst s9;
	s0 =	simm.s32 @!p0 $0x0  }
0x12: {  	s1 =	sld [smem:$0x3F9D];
	s0 =	simm.s32 @p0 $0x1  }
0x13: {  	[smem:$0x3FB8] =	sst s0;
	s0 =	simm.s32 @!p1 $0x0  }
0x14: {  	s2 =	sld [smem:$0x3F9C];
	s0 =	simm.s32 @p1 $0x1  }
0x15: {  	[smem:$0x3FB9] =	sst s0;
	s0 =	simm.s32 @!p2 $0x0  }
0x16: {  	s3 =	sld [smem:$0x3FDB];
	s0 =	simm.s32 @p2 $0x1  }
0x17: {  	s4 =	simm.s32 $0x1BF5;
	[smem:$0x3FBB] =	sst s0  }
0x18: {  	s0 =	sld [smem:$0x3F9E];
	_ =	swait.ge [sflag:s4], $0x0  }
0x19: {  	s7 =	sld [smem:$0x3F9F]  }
0x1a: {  	s8 =	sadd.s32 $0xFFFFE003, lr  }
0x1b: {  	s9 =	sadd.s32 $0xFFFFFEF7, lr;
	s5 =	simm.s32 $0xFFFFFFFF;
	p2 =	slt.u32 s8, $0xFFFFF086  }
0x1c: {  	p1 =	slt.u32 s9, $0xF7A;
	s5 =	simm.s32 @!p2 $0x0  }
0x1d: {  	s5 =	simm.s32 @p1 $0x1;
	p0 =	seq.s32 s7, s2  }
0x1e: {  	s7 =	smul.u32 @!p0 $0xF7A, s2;
	p2 =	seq.s32 @!p0 s5, $0x0  }
0x1f: {  	s9 =	smul.u32 $0xF7A, s1;
	s8 =	simm.s32 @!p0 $0x1BF5;
	p2 =	por !p2, p0  }
0x20: {  	[sflag:s8] =	ssyncset.s32 @!p0 $0xFFFFF086;
	s6 =	sadd.s32 @!p0 s3, s7;
	s7 =	simm.s32 @!p0 $0x108  }
0x21: {  	s3 =	sadd.s32 s3, s9;
	s6 =	sadd.s32 @!p0 $0x88, s6;
	s7 =	simm.s32 @p2 $0x1082  }
0x22: {  	[simem:s7], [sflag:s8] =	dma.local @!p0 [hbm:s6], $0xF7A  }
0x23: {  	s9 =	sor.u32 $0xD0000000, s2;
	s6 =	simm.s32 $0x108;
	_ =	swait.ge @!p0 [sflag:s8], $0x0  }
0x24: {  	s3 =	sadd.s32 $0x88, s3;
	s6 =	simm.s32 @!p1 $0x1082;
	[sflag:s4] =	ssyncset.s32 $0xFFFFF086  }
0x25: {  	[simem:s6], [sflag:s4] =	dma.local [hbm:s3], $0xF7A  }
0x26: {  	[smem:$0x3F9F] =	sst s1;
	(tag) =	ssettag s2;
	_ =	strace s9  }
0x27: {  	s1 =	sld [smem:$0x3FAF]  }
0x28: {  	s2 =	sld [smem:$0x3FB0]  }
0x29: {  	s4 =	sld [smem:$0x3FB2]  }
0x2a: {  	p0 =	seq.s32 s5, $0x0;
	s5 =	sld [smem:$0x3FB3]  }
0x2b: {  	s6 =	sld [smem:$0x3FB4]  }
0x2c: {  	s7 =	sld [smem:$0x3FB5]  }
0x2d: {  	s3 =	simm.s32 $0x108;
	s8 =	sld [smem:$0x3FB6]  }
0x2e: {  	s3 =	simm.s32 @!p0 $0x1082;
	s9 =	sld [smem:$0x3FB7]  }
0x2f: {  	lr =	sadd.s32 s0, s3;
	s0 =	sld [smem:$0x3FAE]  }
0x30: {  	s3 =	sld [smem:$0x3FB1]  }
0x31: {  	[smem:$0x3FBA] =	sst s10  }
0x32: {  	s10 =	sld [smem:$0x3FB8];
	_ =	sdelay $0x3  }
0x33: {  	p0 =	seq.s32 s10, $0x1;
	s10 =	sld [smem:$0x3FBA];
	_ =	sdelay $0x3  }
0x34: {  	[smem:$0x3FBA] =	sst s10  }
0x35: {  	s10 =	sld [smem:$0x3FB9];
	_ =	sdelay $0x3  }
0x36: {  	p1 =	seq.s32 s10, $0x1;
	s10 =	sld [smem:$0x3FBA];
	_ =	sdelay $0x3  }
0x37: {  	[smem:$0x3FBA] =	sst s10  }
0x38: {  	s10 =	sld [smem:$0x3FBB]  }
0x39: {  	_ = 	snop;
	(pc) =	sbr.ind lr, $3  }
0x3a: {  	_ = 	snop  }
0x3b: {  	_ = 	snop  }
0x3c: {  	p2 =	seq.s32 s10, $0x1;
	s10 =	sld [smem:$0x3FBA]  }
0x3d: {  	_ =	shalt  }
0x3e: {  	_ =	shalt  }
0x3f: {  	_ =	shalt  }
0x40: {  	_ =	shalt  }
0x41: {  	_ =	shalt  }
0x42: {  	_ =	shalt  }
0x43: {  	_ =	shalt  }
0x44: {  	_ =	shalt  }
0x45: {  	_ =	shalt  }
0x46: {  	_ =	shalt  }
0x47: {  	_ =	shalt  }
0x48: {  	_ =	shalt  }
0x49: {  	_ =	shalt  }
0x4a: {  	_ =	shalt  }
0x4b: {  	_ =	shalt  }
0x4c: {  	_ =	shalt  }
0x4d: {  	_ =	shalt  }
0x4e: {  	_ =	shalt  }
0x4f: {  	_ =	shalt  }
0x50: {  	_ =	shalt  }
0x51: {  	_ =	shalt  }
0x52: {  	_ =	shalt  }
0x53: {  	_ =	shalt  }
0x54: {  	_ =	shalt  }
0x55: {  	_ =	shalt  }
0x56: {  	_ =	shalt  }
0x57: {  	_ =	shalt  }
0x58: {  	_ =	shalt  }
0x59: {  	_ =	shalt  }
0x5a: {  	_ =	shalt  }
0x5b: {  	_ =	shalt  }
0x5c: {  	_ =	shalt  }
0x5d: {  	_ =	shalt  }
0x5e: {  	_ =	shalt  }
0x5f: {  	_ =	shalt  }
0x60: {  	_ =	shalt  }
0x61: {  	_ =	shalt  }
0x62: {  	_ =	shalt  }
0x63: {  	_ =	shalt  }
0x64: {  	_ =	shalt  }
0x65: {  	_ =	shalt  }
0x66: {  	_ =	shalt  }
0x67: {  	_ =	shalt  }
0x68: {  	_ =	shalt  }
0x69: {  	_ =	shalt  }
0x6a: {  	_ =	shalt  }
0x6b: {  	_ =	shalt  }
0x6c: {  	_ =	shalt  }
0x6d: {  	_ =	shalt  }
0x6e: {  	_ =	shalt  }
0x6f: {  	_ =	shalt  }
0x70: {  	_ =	shalt  }
0x71: {  	_ =	shalt  }
0x72: {  	_ =	shalt  }
0x73: {  	_ =	shalt  }
0x74: {  	_ =	shalt  }
0x75: {  	_ =	shalt  }
0x76: {  	_ =	shalt  }
0x77: {  	_ =	shalt  }
0x78: {  	_ =	shalt  }
0x79: {  	_ =	shalt  }
0x7a: {  	_ =	shalt  }
0x7b: {  	_ =	shalt  }
0x7c: {  	_ =	shalt  }
0x7d: {  	_ =	shalt  }
0x7e: {  	_ =	shalt  }
0x7f: {  	_ =	shalt  }
0x80: {  	_ =	shalt  }
0x81: {  	_ =	shalt  }
0x82: {  	_ =	shalt  }
0x83: {  	_ =	shalt  }
0x84: {  	_ =	shalt  }
0x85: {  	_ =	shalt  }
0x86: {  	_ =	shalt  }
0x87: {  	_ =	shalt  }
.Lfunc_end0:
.L_simem_size_0:
called_computation_lowered:
.L_overlay_start_0:
0x88: {  	s2 =	sld [smem:$0x3FD9]  }
0x89: {  	s3 =	sld [smem:$0x3FFE];
	_ =	sdelay $0x1  }
0x8a: {  	s1 =	srdreg.scid  }
0x8b: {  	s0 =	sand.u32 $0x1, s1  }
0x8c: {  	s17 =	sshll.u32 s0, $0xA;
	s2 =	sadd.s32 s3, s2  }
0x8d: {  	s2 =	sadd.s32 s2, s17  }
0x8e: {  	[smem:$0x3FC6] =	sst s2  }
0x8f: {  	_ = 	snop  }
0x90: {  	s2 =	sld [smem:$0x3FC8]  }
0x91: {  	s18 =	sld [smem:$0x3FD0];
	(tm) =	ssettm $0x1  }
0x92: {  	s4 =	sld [smem:$0x3FFB];
	_ =	sdelay $0x3  }
0x93: {  	_ =	strace s4  }
0x94: {  	s4 =	sld [smem:$0x3FFC];
	_ =	sdelay $0x3  }
0x95: {  	_ =	strace s4  }
0x96: {  	s4 =	sld [smem:$0x3FFD];
	_ =	sdelay $0x3  }
0x97: {  	_ =	strace s4  }
0x98: {  	_ =	strace $0x8FFFFFFF  }
0x99: {  	s19 =	sld [smem:$0x3FDB];
	_ =	sdelay $0x1  }
0x9a: {  	s5 =	simm.s32 $_scs_section_size  }
0x9b: {  	s6 =	simm.s32 $_size__tile_overlayer_lowered;
	s7 =	simm.s32 $_tile_overlayer_lowered  }
0x9c: {  	s22 =	simm.s32 $0x1BFF;
	s21 =	sshll.u32 s7, $0x1;
	s4 =	sadd.s32 s5, s19  }
0x9d: {  	s8 =	simm.s32 $0x0;
	s20 =	sshll.u32 s6, $0x1;
	s6 =	sadd.s32 s21, s4  }
0x9e: {  	[timem:s8], [sflag:s22] =	dma.local [hbm:s6], s20  }
0x9f: {  	_ =	swait.ge [sflag:s22], s20  }
0xa0: {  	s5 =	ssub.s32 $0x0, s20;
	[sflag:s22] =	ssyncset.done $0x0  }
0xa1: {  	[sflag:s22] =	ssyncadd.s32 s5;
	_ =	sdelay $0x1  }
0xa2: {  	s23 =	simm.s32 $0x1B8B  }
0xa3: {  	_ =	swait.ge [sflag:s23], $0x1  }
0xa4: {  	[sflag:s23] =	ssyncset.done $0x0  }
0xa5: {  	s25 =	simm.s32 $0x1B8E;
	s24 =	sld [smem:$0x3FFE];
	[sflag:s23] =	ssyncadd.s32 $0xFFFFFFFF  }
0xa6: {  	s26 =	simm.s32 $execute0_lowered;
	[smem:$0x3FD2] =	sst s25  }
0xa7: {  	s6 =	sshll.u32 s26, $0x1;
	_ =	strace $0x80000046;
	[dreg:$0x1] =	wrdreg $0xFFFFFFFF  }
0xa8: {  	s28 =	simm.s32 $_size_execute0_lowered;
	s4 =	sadd.s32 s4, s6;
	[dreg:$0x0] =	wrdreg $0x0  }
0xa9: {  	s6 =	sshll.u32 s28, $0x1;
	[dreg:$0x2] =	wrdreg s4  }
0xaa: {  	[dreg:$0x3] =	wrdreg s6  }
0xab: {  	[dreg:$0x4] =	wrdreg $0xC0  }
0xac: {  	_ =	task [dreg:s8], $0x5FFFF  }
0xad: {  	[dreg:$0x1] =	wrdreg $0xFFFFFFFF  }
0xae: {  	[dreg:$0x0] =	wrdreg $0x60  }
0xaf: {  	[dreg:$0x2] =	wrdreg s24  }
0xb0: {  	[dreg:$0x3] =	wrdreg s2  }
0xb1: {  	[dreg:$0x4] =	wrdreg s18  }
0xb2: {  	[dreg:$0x5] =	wrdreg $0x9  }
0xb3: {  	_ =	task.clear_ibuf [dreg:s8], $0x6FFFF;
	_ =	strace $0x90000046  }
0xb4: {  	s29 =	simm.s32 $0x9;
	_ =	strace $0x80000048  }
0xb5: {  	_ =	swait.ge [sflag:s29], $0x1  }
0xb6: {  	[sflag:s29] =	ssyncadd.s32 $0xFFFFFFFF  }
0xb7: {  	_ =	strace $0x90000048  }
0xb8: {  	_ =	sfence  }
0xb9: {  	s30 =	sld [smem:$0x0];
	_ =	sdelay $0x2  }
0xba: {  	s31 =	sshll.u32 s1, $0xD;
	s1 =	sshrl.u32 s1, $0x2  }
0xbb: {  	s3 =	sand.u32 $0x4000, s31;
	s1 =	sadd.s32 s1, s30  }
0xbc: {  	s0 =	sor.u32 s3, s0;
	s1 =	sshll.u32 s1, $0x11  }
0xbd: {  	s0 =	sor.u32 s1, s0  }
0xbe: {  	s0 =	sadd.s32 $0x8F2B, s0  }
0xbf: {  	[sflag:s0] =	ssyncadd.remote.s32 $0x1  }
0xc0: {  	_ =	sfence.sel $0xFFFF  }
0xc1: {  	[dreg:$0x0] =	wrdreg $0xFFFFFFFF;
	(pc) =	sbr.abs _section_cstart, $3  }
0xc2: {  	[dreg:$0x1] =	wrdreg $0xFFFFFFFF  }
0xc3: {  	_ =	task.clear_ibuf [dreg:s8], $0x2FFFF;
	_ =	strace $0x9FFFFFFF  }
0xc4: {  	(tm) =	ssettm $0x7FFFFFFF  }
0xc5: {  	_ =	shalt  }
tec
execute0_lowered:
.L_overlay_start_1:
0x0: {  	(tag) =	ssettag $0x1  }
0x1: {  	s1 =	srdreg.scid;
	s5 =	rddreg [dreg:$0x0]  }
0x2: {  	s0 =	stileid.u32;
	s8 =	rddreg [dreg:$0x1];
	s4 =	sand.u32 $0x1, s1  }
0x3: {  	s3 =	simm.s32 $0x1;
	s9 =	rddreg [dreg:$0x2];
	s1 =	sor.u32 s4, s0  }
0x4: {  	s2 =	simm.s32 $0x0;
	p1 =	seq.s32 s4, $0x1;
	p0 =	seq.s32 s1, $0x0  }
0x5: {  	s14 =	simm.s32 $0x2;
	s15 =	simm.s32 $0x2080;
	p0 =	por !p0, !p1  }
0x6: {  	s16 =	simm.s32 $0x3;
	s17 =	simm.s32 $0x0;
	p0 =	por !p0, !p0  }
0x7: {  	[smem:$0x7FF] =	sst s2;
	s7 =	ssub.s32 $0x2, s4;
	s3 =	simm.s32 @!p0 $0x0  }
0x8: {  	_ =	strace $0x80000047;
	s29 =	sshrl.u32 s7, $0x1;
	s6 =	ssub.s32 s0, s3  }
0x9: {  	s4 =	sshll.u32 s4, $0x8;
	s12 =	ssub.s32 s7, s29;
	s3 =	sshll.u32 s6, $0x8  }
0xa: {  	s30 =	sshll.u32 s6, $0x9;
	s10 =	sand.u32 $0x1FFFFF00, s3;
	s3 =	simm.s32 $0x1  }
0xb: {  	s13 =	sor.u32 s4, s30;
	s11 =	sadd.s32 s10, s5;
	s8 =	sadd.s32 s8, s10  }
0xc: {  	s31 =	sshrl.u32 s13, $0x3;
	s10 =	smax.u32 s12, $0x1;
	s12 =	simm.s32 $0x1000  }
0xd: {  	s13 =	simm.s32 $0x1800;
	s5 =	sadd.s32 $0x2600, s11;
	s6 =	sadd.s32 $0x1600, s11  }
0xe: {  	s7 =	sadd.s32 $0x600, s11;
	s9 =	sadd.s32 s9, s31;
	s11 =	simm.s32 $0x800  }
.LBB2_1:
0xf: {  	[tilespmem:s2], [sflag:$0x1] =	stream.linear.gather [hbm4b:s5+s2], $0x800, $0x38;
	[tilespmem:$0x2180] =	vst v63  }
0x10: {  	_ = 	snop  }
0x11: {  	[tilespmem:s11], [sflag:$0x1] =	stream.linear.gather [hbm4b:s6+s2], $0x800, $0x38;
	[tilespmem:$0x2180] =	vst v63  }
0x12: {  	_ = 	snop  }
0x13: {  	[tilespmem:s12], [sflag:$0x1] =	stream.linear.gather [hbm4b:s7+s2], $0x800, $0x38;
	[tilespmem:$0x2180] =	vst v63  }
0x14: {  	_ = 	snop  }
0x15: {  	[tilespmem:s13], [sflag:$0x2] =	stream.linear.gather [hbm4b:s8+s2], $0x800, $0x38;
	[tilespmem:$0x2180] =	vst v63  }
0x16: {  	_ =	swait.ge [sflag:s3], $0x800  }
0x17: {  	[sflag:s3] =	ssyncset.done $0x0  }
0x18: {  	[sflag:s3] =	ssyncadd.s32 $0xFFFFF800  }
0x19: {  	_ =	swait.ge [sflag:s3], $0x800  }
0x1a: {  	[sflag:s3] =	ssyncset.done $0x0  }
0x1b: {  	[sflag:s3] =	ssyncadd.s32 $0xFFFFF800  }
0x1c: {  	_ =	swait.ge [sflag:s3], $0x800  }
0x1d: {  	[sflag:s3] =	ssyncset.done $0x0  }
0x1e: {  	[sflag:s3] =	ssyncadd.s32 $0xFFFFF800  }
0x1f: {  	_ =	swait.ge [sflag:s14], $0x800  }
0x20: {  	s18 =	simm.s32 $0x10;
	s19 =	simm.s32 $0x1810;
	[sflag:s14] =	ssyncset.done $0x0  }
0x21: {  	s20 =	simm.s32 $0x0;
	s21 =	simm.s32 $0x0;
	[sflag:s14] =	ssyncadd.s32 $0xFFFFF800  }
.LBB2_2:
0x22: {  	s22 =	simm.s32 $0x0;
	s23 =	sadd.s32 $0x0, s20;
	s25 =	simm.s32 $0x10  }
0x23: {  	s22 =	sand.u32 $0x60, s22;
	s24 =	sand.u32 $0x780, s23;
	s23 =	sadd.s32 $0x10, s23  }
0x24: {  	s30 =	sand.u32 $0x70, s25;
	s22 =	sor.u32 s22, s24;
	s23 =	sand.u32 $0x780, s23  }
0x25: {  	v0 =	vld [tilespmem:s22+$0x1000];
	s23 =	sor.u32 s30, s23  }
0x26: {  	v1 =	vld [tilespmem:s23+$0x1000];
	_ =	sdelay $0x3  }
0x27: {  	s31 =	simm.s32 $0x20;
	s1 =	simm.s32 $0x30;
	s26 =	sadd.s32 $0x20, s20;
	(erf) = vrcp.f32 v0  }
0x28: {  	s28 =	sand.u32 $0x780, s26;
	s26 =	sadd.s32 $0x10, s26;
	s24 =	sand.u32 $0x60, s31;
	(erf) = vrcp.f32 v1  }
0x29: {  	s25 =	sand.u32 $0x70, s1;
	s26 =	sand.u32 $0x780, s26;
	s24 =	sor.u32 s24, s28  }
0x2a: {  	s28 =	sor.u32 s25, s26;
	v2 =	vld [tilespmem:s24+$0x1000]  }
0x2b: {  	v5 =	vld [tilespmem:s28+$0x1000]  }
0x2c: {  	v0 =	vld [tilespmem:s22+$0x800];
	_ =	sdelay $0x1  }
0x2d: {  	v4 =	vld [tilespmem:s23+$0x800]  }
0x2e: {  	v6 =	vld [tilespmem:s18+$0xFFFFFFF0]  }
0x2f: {  	s29 =	simm.s32 $0x50;
	v9 =	vld [tilespmem:s18+$0x0];
	s26 =	simm.s32 $0x40;
	s30 =	sadd.s32 $0x40, s20;
	v1 =	vpop (erf);
	(erf) = vrcp.f32 v2  }
0x30: {  	v11 =	vld [tilespmem:s19+$0xFFFFFFF0];
	s31 =	sand.u32 $0x780, s30;
	s25 =	sadd.s32 $0x10, s30;
	s22 =	sand.u32 $0x60, s26;
	v10 =	vmul.f32 v1, v0;
	v0 =	vpop (erf);
	(erf) = vrcp.f32 v5  }
0x31: {  	v3 =	vld [tilespmem:s19+$0x0];
	s23 =	sand.u32 $0x70, s29;
	s25 =	sand.u32 $0x780, s25;
	s22 =	sor.u32 s22, s31  }
0x32: {  	s23 =	sor.u32 s23, s25;
	v8 =	vld [tilespmem:s22+$0x1000];
	v2 =	vmul.f32 v0, v4  }
0x33: {  	v7 =	vld [tilespmem:s23+$0x1000];
	v12 =	vsub.f32 v6, v10  }
0x34: {  	s25 =	simm.s32 $0x4;
	v6 =	vld [tilespmem:s24+$0x800];
	v10 =	vsub.f32 v9, v2  }
0x35: {  	s26 =	simm.s32 $0x60;
	v5 =	vimm.f32 $0.0e+00;
	v4 =	vimm.f32 $0.0e+00;
	s24 =	sadd.s32 $0x20, s18;
	v2 =	vld [tilespmem:s28+$0x800];
	s28 =	smov.u32 s19;
	v9 =	vsub.f32 v12, v11  }
.LBB2_3:
0x36: {  	s29 =	sadd.s32 $0x10, s26;
	v11 =	vld [tilespmem:s24+$0xFFFFFFF0];
	v10 =	vsub.f32 v10, v3;
	s28 =	sadd.s32 $0x20, s28;
	s30 =	sadd.s32 s26, s20  }
0x37: {  	s31 =	sand.u32 $0x60, s26;
	s25 =	sadd.s32 $0x2, s25;
	v5 =	vadd.f32 v1, v5;
	(erf) = vrcp.f32 v8;
	v12 =	vld [tilespmem:s24+$0x0];
	v4 =	vadd.f32 v9, v4;
	s1 =	sand.u32 $0x780, s30  }
0x38: {  	s30 =	sadd.s32 $0x10, s30;
	p0 =	slt.u32 s25, $0x1E;
	s29 =	sand.u32 $0x70, s29;
	(erf) = vrcp.f32 v7;
	v9 =	vld [tilespmem:s28+$0xFFFFFFF0];
	v1 =	vpop (erf)  }
.Ltmp0:
0x39: {  	s1 =	sor.u32 s31, s1;
	s30 =	sand.u32 $0x780, s30;
	v5 =	vadd.f32 v0, v5;
	v6 =	vmul.f32 v1, v6;
	v3 =	vld [tilespmem:s28+$0x0];
	v4 =	vadd.f32 v10, v4;
	v0 =	vpop (erf);
	(pc) =	sbr.rel @p0 .LBB2_3-.Ltmp0, $4  }
0x3a: {  	s29 =	sor.u32 s29, s30;
	v8 =	vld [tilespmem:s1+$0x1000];
	v2 =	vmul.f32 v0, v2  }
0x3b: {  	v7 =	vld [tilespmem:s29+$0x1000];
	v11 =	vsub.f32 v11, v6  }
0x3c: {  	v6 =	vld [tilespmem:s22+$0x800];
	v10 =	vsub.f32 v12, v2;
	s22 =	smov.u32 s1  }
0x3d: {  	s26 =	sadd.s32 $0x20, s26;
	s24 =	sadd.s32 $0x20, s24;
	v2 =	vld [tilespmem:s23+$0x800];
	v9 =	vsub.f32 v11, v9;
	s23 =	smov.u32 s29  }
0x3e: {  	_ = 	snop  }
0x3f: {  	(erf) = vrcp.f32 v8  }
0x40: {  	v48 =	vld [tilespmem:s24+$0xFFFFFFF0]  }
0x41: {  	v11 =	vld [tilespmem:s24+$0x0];
	(erf) = vrcp.f32 v7  }
0x42: {  	s1 =	sadd.s32 $0x20, s28;
	v14 =	vld [tilespmem:s22+$0x800]  }
0x43: {  	v49 =	vld [tilespmem:s1+$0xFFFFFFF0];
	v12 =	vpop (erf)  }
0x44: {  	v51 =	vld [tilespmem:s23+$0x800];
	v6 =	vmul.f32 v12, v6  }
0x45: {  	v3 =	vsub.f32 v10, v3;
	s30 =	sadd.s32 $0x20, s24;
	v13 =	vld [tilespmem:s1+$0x0];
	v4 =	vadd.f32 v9, v4;
	v50 =	vpop (erf)  }
0x46: {  	v52 =	vld [tilespmem:s30+$0xFFFFFFF0];
	v2 =	vmul.f32 v50, v2;
	v6 =	vsub.f32 v48, v6  }
0x47: {  	v1 =	vadd.f32 v1, v5;
	s1 =	sadd.s32 $0x20, s1;
	v53 =	vld [tilespmem:s30+$0x0];
	v3 =	vadd.f32 v3, v4  }
0x48: {  	v55 =	vld [tilespmem:s1+$0xFFFFFFF0];
	v2 =	vsub.f32 v11, v2;
	v54 =	vsub.f32 v6, v49;
	v56 =	vpop (erf)  }
0x49: {  	v0 =	vadd.f32 v0, v1;
	v57 =	vmul.f32 v56, v14  }
0x4a: {  	v58 =	vld [tilespmem:s1+$0x0];
	v2 =	vsub.f32 v2, v13;
	v3 =	vadd.f32 v54, v3;
	v59 =	vpop (erf)  }
0x4b: {  	v60 =	vmul.f32 v59, v51;
	v1 =	vsub.f32 v52, v57  }
0x4c: {  	v0 =	vadd.f32 v12, v0;
	v2 =	vadd.f32 v2, v3  }
0x4d: {  	v61 =	vsub.f32 v53, v60;
	v1 =	vsub.f32 v1, v55  }
0x4e: {  	v0 =	vadd.f32 v50, v0  }
0x4f: {  	v3 =	vsub.f32 v61, v58;
	v1 =	vadd.f32 v1, v2  }
0x50: {  	v0 =	vadd.f32 v56, v0  }
0x51: {  	v1 =	vadd.f32 v3, v1  }
0x52: {  	v0 =	vadd.f32 v59, v0  }
0x53: {  	(xrf2) =	vadd.scan.msk.f32 $0xffff, v1  }
0x54: {  	(xrf2) =	vadd.scan.msk.f32 $0xffff, v0;
	_ =	sdelay $0x8  }
0x55: {  	v62, _, _ =	vpop (xrf2)  }
0x56: {  	v63, _, _ =	vpop (xrf2)  }
0x57: {  	v1 =	vbroadcast v63, $0xF;
	_ =	sdelay $0x1  }
0x58: {  	(erf) = vrcp.f32 v1;
	_ =	sdelay $0x5  }
0x59: {  	s31 =	sshll.u32 s21, $0x4;
	s21 =	sadd.s32 $0x1, s21  }
0x5a: {  	p0 =	sne.s32 s21, $0x4  }
.Ltmp1:
0x5b: {  	v0 =	vbroadcast v62, $0xF;
	(pc) =	sbr.rel @p0 .LBB2_2-.Ltmp1, $4  }
0x5c: {  	v1 =	vpop (erf)  }
0x5d: {  	v0 =	vmul.f32 v1, v0  }
0x5e: {  	s1 =	sand.u32 $0x3FFFFFF0, s31  }
0x5f: {  	s20 =	sadd.s32 $0x200, s20;
	s18 =	sadd.s32 $0x200, s18;
	s19 =	sadd.s32 $0x200, s19;
	[tilespmem:s1+$0x2000] =	vst v0  }
0x60: {  	s1 =	simm.s32 $0x0  }
0x61: {  	s18 =	sand.u32 $0x80, s1  }
0x62: {  	s1 =	sand.u32 $0x70, s1;
	s18 =	sadd.s32 s18, s4  }
0x63: {  	s1 =	sadd.s32 s1, s18  }
0x64: {  	v0 =	vld [tilespmem:s1+$0x1000];
	_ =	sdelay $0x1  }
0x65: {  	v1 =	vld [tilespmem:s1+$0x1200]  }
0x66: {  	v57 =	vld [tilespmem:$0x2020]  }
0x67: {  	v3 =	vld [tilespmem:s1+$0x1400]  }
0x68: {  	v58 =	vld [tilespmem:$0x2030];
	(erf) = vrcp.f32 v0  }
0x69: {  	v4 =	vld [tilespmem:s1+$0x1600]  }
0x6a: {  	v5 =	vld [tilespmem:s1+$0x800];
	(erf) = vrcp.f32 v1  }
0x6b: {  	v1 =	vld [tilespmem:$0x2000]  }
0x6c: {  	v6 =	vld [tilespmem:s1+$0xA00];
	(erf) = vrcp.f32 v3  }
0x6d: {  	v3 =	vld [tilespmem:$0x2010]  }
0x6e: {  	v7 =	vld [tilespmem:s1+$0xC00];
	(erf) = vrcp.f32 v4  }
0x6f: {  	v0 =	vld [tilespmem:s1+$0x0]  }
0x70: {  	v2 =	vld [tilespmem:s1+$0xE00];
	v1 =	vadd.f32 v1, v5  }
0x71: {  	v8 =	vld [tilespmem:s1+$0x200];
	v9 =	vpop (erf)  }
0x72: {  	v3 =	vadd.f32 v3, v6;
	v1 =	vmul.f32 v1, v9  }
0x73: {  	v59 =	vld [tilespmem:s1+$0x400];
	v60 =	vpop (erf)  }
0x74: {  	v0 =	vsub.f32 v0, v1;
	v1 =	vmul.f32 v3, v60;
	v3 =	vadd.f32 v57, v7  }
0x75: {  	v61 =	vld [tilespmem:s1+$0x600];
	v2 =	vadd.f32 v58, v2;
	v62 =	vpop (erf)  }
0x76: {  	v0 =	vadd.f32 $0.0e+00, v0;
	v1 =	vsub.f32 v8, v1;
	v3 =	vmul.f32 v3, v62  }
0x77: {  	v63 =	vpop (erf)  }
0x78: {  	v2 =	vmul.f32 v2, v63;
	v0 =	vadd.f32 v1, v0;
	v1 =	vsub.f32 v59, v3;
	_ =	sdelay $0x1  }
0x79: {  	v0 =	vadd.f32 v1, v0;
	v1 =	vsub.f32 v61, v2;
	_ =	sdelay $0x1  }
0x7a: {  	v0 =	vadd.f32 v1, v0  }
0x7b: {  	s20 =	simm.s32 $0x10  }
0x7c: {  	s19 =	simm.s32 $0x20;
	s21 =	sand.u32 $0x80, s20;
	s18 =	simm.s32 $0x2080;
	v0 =	vmul.f32 $2.500000000e-01, v0  }
.LBB2_6:
0x7d: {  	p0 =	sne.s32 s19, $0xF0;
	s1 =	sand.u32 $0x70, s20;
	s20 =	sadd.s32 s21, s4  }
0x7e: {  	s1 =	sadd.s32 s1, s20;
	[tilespmem:s18+$0x0] =	vst v0;
	s20 =	smov.u32 s19  }
0x7f: {  	v0 =	vld [tilespmem:s1+$0x1000];
	_ =	sdelay $0x1  }
0x80: {  	v1 =	vld [tilespmem:s1+$0x1200]  }
0x81: {  	v2 =	vld [tilespmem:s1+$0xE00]  }
0x82: {  	v3 =	vld [tilespmem:s1+$0x1400]  }
0x83: {  	v4 =	vld [tilespmem:s1+$0x1600];
	(erf) = vrcp.f32 v0  }
0x84: {  	v0 =	vld [tilespmem:s1+$0x0]  }
0x85: {  	v5 =	vld [tilespmem:s1+$0x800];
	(erf) = vrcp.f32 v1  }
0x86: {  	v1 =	vld [tilespmem:$0x2000]  }
0x87: {  	v6 =	vld [tilespmem:s1+$0xA00];
	(erf) = vrcp.f32 v3  }
0x88: {  	v3 =	vld [tilespmem:$0x2010]  }
0x89: {  	v7 =	vld [tilespmem:s1+$0xC00];
	(erf) = vrcp.f32 v4  }
0x8a: {  	v4 =	vld [tilespmem:$0x2020]  }
0x8b: {  	v1 =	vadd.f32 v1, v5;
	v5 =	vld [tilespmem:$0x2030]  }
0x8c: {  	v8 =	vld [tilespmem:s1+$0x200];
	v9 =	vpop (erf)  }
0x8d: {  	v1 =	vmul.f32 v1, v9;
	v3 =	vadd.f32 v3, v6  }
0x8e: {  	v6 =	vld [tilespmem:s1+$0x400];
	v9 =	vpop (erf)  }
0x8f: {  	v0 =	vsub.f32 v0, v1;
	v1 =	vmul.f32 v3, v9;
	v3 =	vadd.f32 v4, v7  }
0x90: {  	v4 =	vld [tilespmem:s1+$0x600];
	v2 =	vadd.f32 v5, v2;
	v5 =	vpop (erf)  }
0x91: {  	v0 =	vadd.f32 $0.0e+00, v0;
	v1 =	vsub.f32 v8, v1;
	v3 =	vmul.f32 v3, v5  }
0x92: {  	v5 =	vpop (erf)  }
0x93: {  	v0 =	vadd.f32 v1, v0;
	v1 =	vsub.f32 v6, v3;
	v2 =	vmul.f32 v2, v5;
	_ =	sdelay $0x1  }
.Ltmp2:
0x94: {  	v0 =	vadd.f32 v1, v0;
	v1 =	vsub.f32 v4, v2;
	(pc) =	sbr.rel @p0 .LBB2_6-.Ltmp2, $3  }
0x95: {  	_ = 	snop  }
0x96: {  	v0 =	vadd.f32 v1, v0;
	_ =	sdelay $0x1  }
0x97: {  	s19 =	sadd.s32 $0x10, s19;
	s18 =	sadd.s32 $0x10, s18;
	s21 =	sand.u32 $0x80, s20;
	v0 =	vmul.f32 $2.500000000e-01, v0  }
0x98: {  	s1 =	sand.u32 $0x70, s20;
	s19 =	sadd.s32 s21, s4  }
0x99: {  	s1 =	sadd.s32 s1, s19;
	[tilespmem:s18+$0x0] =	vst v0  }
0x9a: {  	v0 =	vld [tilespmem:s1+$0x1000];
	_ =	sdelay $0x1  }
0x9b: {  	v1 =	vld [tilespmem:s1+$0x1200]  }
0x9c: {  	v2 =	vld [tilespmem:s1+$0xE00]  }
0x9d: {  	v3 =	vld [tilespmem:s1+$0x1400]  }
0x9e: {  	v4 =	vld [tilespmem:s1+$0x1600];
	(erf) = vrcp.f32 v0  }
0x9f: {  	v50 =	vld [tilespmem:s1+$0x0]  }
0xa0: {  	v5 =	vld [tilespmem:s1+$0x800];
	(erf) = vrcp.f32 v1  }
0xa1: {  	v51 =	vld [tilespmem:$0x2000]  }
0xa2: {  	v6 =	vld [tilespmem:s1+$0xA00];
	(erf) = vrcp.f32 v3  }
0xa3: {  	v52 =	vld [tilespmem:$0x2010]  }
0xa4: {  	v7 =	vld [tilespmem:s1+$0xC00];
	(erf) = vrcp.f32 v4  }
0xa5: {  	v53 =	vld [tilespmem:$0x2020]  }
0xa6: {  	v54 =	vld [tilespmem:$0x2030];
	v1 =	vadd.f32 v51, v5  }
0xa7: {  	v8 =	vld [tilespmem:s1+$0x200];
	v9 =	vpop (erf)  }
0xa8: {  	v3 =	vadd.f32 v52, v6;
	v1 =	vmul.f32 v1, v9  }
0xa9: {  	v55 =	vld [tilespmem:s1+$0x400];
	v56 =	vpop (erf)  }
0xaa: {  	v58 =	vadd.f32 v53, v7;
	v57 =	vmul.f32 v3, v56;
	v0 =	vsub.f32 v50, v1  }
0xab: {  	v59 =	vld [tilespmem:s1+$0x600];
	v2 =	vadd.f32 v54, v2;
	v60 =	vpop (erf)  }
0xac: {  	v3 =	vmul.f32 v58, v60;
	v1 =	vsub.f32 v8, v57;
	v0 =	vadd.f32 $0.0e+00, v0  }
0xad: {  	v61 =	vpop (erf)  }
0xae: {  	v2 =	vmul.f32 v2, v61;
	v62 =	vsub.f32 v55, v3;
	v0 =	vadd.f32 v1, v0;
	_ =	sdelay $0x1  }
0xaf: {  	v63 =	vsub.f32 v59, v2;
	v0 =	vadd.f32 v62, v0;
	_ =	sdelay $0x1  }
0xb0: {  	v0 =	vadd.f32 v63, v0;
	_ =	sdelay $0x1  }
0xb1: {  	s17 =	sadd.s32 $0x1, s17;
	v0 =	vmul.f32 $2.500000000e-01, v0  }
0xb2: {  	s31 =	sadd.s32 $0x10, s18;
	p0 =	sne.s32 s17, s10  }
.Ltmp3:
0xb3: {  	[tilespmem:s31+$0x0] =	vst v0;
	(pc) =	sbr.rel @p0 .LBB2_1-.Ltmp3, $4  }
0xb4: {  	[hbm4b:s9+s2] =	stream.linear.scatter [tilespmem:s15], [sflag:$0x3], $0x100, $0x38;
	[tilespmem:$0x2180] =	vst v63  }
0xb5: {  	_ =	swait.ge [sflag:s16], $0x100  }
0xb6: {  	[sflag:s16] =	ssyncset.done $0x0  }
0xb7: {  	[sflag:s16] =	ssyncadd.s32 $0xFFFFFF00  }
0xb8: {  	_ =	sfence.sel $0x180000  }
0xb9: {  	[bflag:$0x0] =	sbarrier.arrive $0xFFFF  }
0xba: {  	_ =	strace $0x90000047  }
0xbb: {  	[bflag:$0x2] =	sbarrier.arrive $0xFFFF  }
0xbc: {  	p0 =	sne.s32 s0, $0x0;
	s0 =	rddreg [dreg:$0x3]  }
0xbd: {  	s0 =	sadd.s32 @!p0 $0x100000, s0  }
0xbe: {  	[sflag:s0] =	ssyncadd.tile.s32 @!p0 $0x1;
	_ =	shalt  }
.Lfunc_end2:
_tile_overlayer_lowered:
.L_overlay_start_2:
0xbf: {  	(tag) =	ssettag $0x2  }
0xc0: {  	s0 =	rddreg [dreg:$0x0];
	s2 =	stileid.u32  }
0xc1: {  	s1 =	rddreg [dreg:$0x1];
	p0 =	sne.s32 s2, $0x0  }
0xc2: {  	s3 =	rddreg [dreg:$0x2];
	[bflag:$0x3] =	sbarrier.arrive $0xFFFF;
	s2 =	simm.s32 @!p0 $0x1C03  }
0xc3: {  	[timem:s3], [sflag:s2] =	dma.local @!p0 [hbm:s0], s1  }
0xc4: {  	s0 =	simm.s32 @!p0 $0x3  }
0xc5: {  	_ =	swait.ge @!p0 [sflag:s0], s1  }
0xc6: {  	s1 =	ssub.s32 @!p0 $0x0, s1;
	[sflag:s0] =	ssyncset.done @!p0 $0x0  }
0xc7: {  	[sflag:s0] =	ssyncadd.s32 @!p0 s1  }
0xc8: {  	[bflag:$0x3] =	sbarrier.arrive $0xFFFF  }
0xc9: {  	_ =	shalt  }

</sc_bundles>
